<compile_context>
chip_gen: v7x
topology: tpu7x:2x2x1
jax: 0.10.2.dev20260603
libtpu: 0.0.44.dev20260713+nightly
codegen_flags: <defaults>
</compile_context>

<pallas_src>
import jax
import jax.numpy as jnp
from jax.experimental import pallas as pl
from jax.experimental.pallas import tpu as pltpu

NUM_MED = 2000
N_DIAGS = 128
N_PROCS = 64
TC_D = 157
TC_P = 79
GRID = TC_D + TC_P
NEG = float(jnp.finfo(jnp.float32).min)


def _body(uc_ref, cnt_ref, thr_ref, diag_ref, proc_ref, mask_ref, pre_ref,
          out_ref, accd_ref, accp_ref):
    i = pl.program_id(0)
    nd = cnt_ref[0]
    npr = cnt_ref[1]
    m = mask_ref[0]

    @pl.when(i == 0)
    def _():
        accd_ref[...] = diag_ref[...] + m

    @pl.when(jnp.logical_and(i > 0, i < nd))
    def _():
        accd_ref[...] = jnp.maximum(accd_ref[...], diag_ref[...] + m)

    @pl.when(i == TC_D)
    def _():
        accp_ref[...] = proc_ref[...] + m

    @pl.when(jnp.logical_and(i > TC_D, i < TC_D + npr))
    def _():
        accp_ref[...] = jnp.maximum(accp_ref[...], proc_ref[...] + m)

    @pl.when(i == GRID - 1)
    def _():
        maxd = jnp.max(accd_ref[...], axis=1, keepdims=True)
        maxp = jnp.max(accp_ref[...], axis=1, keepdims=True)
        maxd = jnp.maximum(maxd, 0.0)
        maxp = jnp.maximum(maxp, 0.0)
        hl0, hl1 = thr_ref[0], thr_ref[1]
        ll0, ll1 = thr_ref[2], thr_ref[3]
        wm, wp = thr_ref[4], thr_ref[5]
        minus = jnp.logical_and(maxd < ll0, maxp < ll1)
        plus = jnp.logical_and(
            jnp.logical_not(minus), jnp.logical_or(maxd > hl0, maxp > hl1)
        )
        delta = wp * plus.astype(jnp.float32) \
            - wm * minus.astype(jnp.float32)
        out_ref[...] = pre_ref[...] + delta


def _prep(idx, n_tc, n_sel):
    tc = idx // 128
    lane = idx % 128
    uc, inv = jnp.unique(tc, size=n_tc, fill_value=0, return_inverse=True)
    st = jnp.sort(tc)
    cnt = jnp.sum((st[1:] != st[:-1]).astype(jnp.int32)) + 1
    mask = jnp.full((n_tc, 128), NEG, jnp.float32).at[inv, lane].set(0.0)
    return uc, cnt, mask


def kernel(pre_prob, diag_med_effect, proc_med_effect, c1_high_limit,
           c1_low_limit, c1_minus_weight, c1_plus_weight, diags, procs):
    ucd, nd, mask_d = _prep(diags.astype(jnp.int32), TC_D, N_DIAGS)
    ucp, npr, mask_p = _prep(procs.astype(jnp.int32), TC_P, N_PROCS)
    uc = jnp.concatenate([ucd, ucp])
    cnt = jnp.stack([nd, npr])
    mask = jnp.concatenate([mask_d, mask_p]).reshape(GRID, 1, 128)
    thr = jnp.stack([
        c1_high_limit[0], c1_high_limit[1],
        c1_low_limit[0], c1_low_limit[1],
        jnp.asarray(c1_minus_weight, jnp.float32),
        jnp.asarray(c1_plus_weight, jnp.float32),
    ])
    grid_spec = pltpu.PrefetchScalarGridSpec(
        num_scalar_prefetch=3,
        grid=(GRID,),
        in_specs=[
            pl.BlockSpec(
                (NUM_MED, 128),
                lambda i, uc, c, t: (
                    0, uc[jnp.minimum(i, c[0] - 1)]),
            ),
            pl.BlockSpec(
                (NUM_MED, 128),
                lambda i, uc, c, t: (
                    0, uc[jnp.clip(i, TC_D, TC_D + c[1] - 1)]),
            ),
            pl.BlockSpec((1, 1, 128), lambda i, uc, c, t: (i, 0, 0)),
            pl.BlockSpec((NUM_MED, 1), lambda i, uc, c, t: (0, 0)),
        ],
        out_specs=pl.BlockSpec((NUM_MED, 1), lambda i, uc, c, t: (0, 0)),
        scratch_shapes=[
            pltpu.VMEM((NUM_MED, 128), jnp.float32),
            pltpu.VMEM((NUM_MED, 128), jnp.float32),
        ],
    )
    outT = pl.pallas_call(
        _body,
        grid_spec=grid_spec,
        out_shape=jax.ShapeDtypeStruct((NUM_MED, 1), jnp.float32),
    )(uc, cnt, thr, diag_med_effect.T, proc_med_effect.T, mask, pre_prob.T)
    return outT.T

# --- scband reference (transcript-rebuilt; emitter-appended) ---
"""Pipeline reference for scband-causalty-review-27925877358634 (READ-ONLY COPY).

The authoritative reference and input builder live on the scoring server;
editing this copy changes nothing except your own understanding.
"""

import jax, jax.numpy as jnp
import numpy as np

NUM_DIAG = 20000
NUM_PROC = 10000
NUM_MED = 2000
N_DIAGS = 128
N_PROCS = 64


def setup_inputs(seed: int = 0) -> dict:
    key = jax.random.key(seed)
    k1, k2, k3, k4, k5 = jax.random.split(key, 5)
    pre_prob = jax.random.uniform(k1, (1, NUM_MED), dtype=jnp.float32)
    diags = jax.random.randint(k2, (N_DIAGS,), 0, NUM_DIAG, dtype=jnp.int32)
    procs = jax.random.randint(k3, (N_PROCS,), 0, NUM_PROC, dtype=jnp.int32)
    # learned / graph-derived parameters (materialized causal-effect tables)
    diag_med_effect = jax.random.uniform(k4, (NUM_DIAG, NUM_MED), dtype=jnp.float32)
    proc_med_effect = jax.random.uniform(k5, (NUM_PROC, NUM_MED), dtype=jnp.float32)
    c1_high_limit = jnp.array([0.97, 0.97], dtype=jnp.float32)  # 0.97-quantile thresholds
    c1_low_limit = jnp.array([0.90, 0.90], dtype=jnp.float32)   # 0.90-quantile thresholds
    c1_minus_weight = jnp.asarray(0.01, dtype=jnp.float32)
    c1_plus_weight = jnp.asarray(0.01, dtype=jnp.float32)
    return {
        "pre_prob": pre_prob,
        "diag_med_effect": diag_med_effect,
        "proc_med_effect": proc_med_effect,
        "c1_high_limit": c1_high_limit,
        "c1_low_limit": c1_low_limit,
        "c1_minus_weight": c1_minus_weight,
        "c1_plus_weight": c1_plus_weight,
        "diags": diags,
        "procs": procs,
    }


def reference(pre_prob, diag_med_effect, proc_med_effect, c1_high_limit, c1_low_limit,
              c1_minus_weight, c1_plus_weight, diags, procs):
    # max_cdm[m] = max(0, max_{d in diags} C_dm[d, m]); likewise for procs
    gathered_d = jnp.take(diag_med_effect, diags, axis=0)   # [n_diags, NUM_MED] gather
    gathered_p = jnp.take(proc_med_effect, procs, axis=0)   # [n_procs, NUM_MED] gather
    max_cdm = jnp.maximum(jnp.max(gathered_d, axis=0), 0.0)  # [NUM_MED]
    max_cpm = jnp.maximum(jnp.max(gathered_p, axis=0), 0.0)  # [NUM_MED]
    minus_mask = jnp.logical_and(max_cdm < c1_low_limit[0], max_cpm < c1_low_limit[1])
    plus_mask = jnp.logical_and(
        jnp.logical_not(minus_mask),
        jnp.logical_or(max_cdm > c1_high_limit[0], max_cpm > c1_high_limit[1]),
    )
    delta = (-c1_minus_weight) * minus_mask.astype(jnp.float32) \
            + c1_plus_weight * plus_mask.astype(jnp.float32)
    # scatter-add update onto row 0 of the probability buffer
    reviewed_prob = pre_prob.at[0].add(delta)
    return reviewed_prob

if __name__ == "__main__":
    import jax
    _d = setup_inputs()
    print(jax.jit(kernel)(*tuple(_d.values())))

</pallas_src>

<mosaic_0001>
module attributes {stable_mosaic.version = 14 : i64} {
  func.func @_body(%arg0: i32, %arg1: memref<236xi32, #tpu.memory_space<smem>>, %arg2: memref<2xi32, #tpu.memory_space<smem>>, %arg3: memref<6xf32, #tpu.memory_space<smem>>, %arg4: memref<2000x128xf32, #tpu.memory_space<vmem>>, %arg5: memref<2000x128xf32, #tpu.memory_space<vmem>>, %arg6: memref<1x1x128xf32, #tpu.memory_space<vmem>>, %arg7: memref<2000x1xf32, #tpu.memory_space<vmem>>, %arg8: memref<2000x1xf32, #tpu.memory_space<vmem>>, %arg9: memref<2000x128xf32, #tpu.memory_space<vmem>>, %arg10: memref<2000x128xf32, #tpu.memory_space<vmem>>) attributes {dimension_semantics = [#tpu.dimension_semantics<arbitrary>], iteration_bounds = array<i64: 236>, scalar_prefetch = 3 : i64, scratch_operands = 2 : i64, tpu.core_type = #tpu.core_type<tc>, window_params = [{transform_indices = @transform_0, window_bounds = array<i64: 2000, 128>}, {transform_indices = @transform_1, window_bounds = array<i64: 2000, 128>}, {transform_indices = @transform_2, window_bounds = array<i64: 1, 1, 128>}, {pipeline_mode = #tpu.pipeline_mode<synchronous>, transform_indices = @transform_3, window_bounds = array<i64: 2000, 1>}, {pipeline_mode = #tpu.pipeline_mode<synchronous>, transform_indices = @transform_4, window_bounds = array<i64: 2000, 1>}]} {
    %get3A = arith.constant 0 : index
    %get3A_0 = memref.load %arg2[%get3A] : memref<2xi32, #tpu.memory_space<smem>>
    %get3A_1 = arith.constant 1 : index
    %get3A_2 = memref.load %arg2[%get3A_1] : memref<2xi32, #tpu.memory_space<smem>>
    %get3A_3 = arith.constant 0 : index
    %get3A_4 = arith.constant 0 : index
    %get3A_5 = arith.constant 0 : index
    %get3A_6 = vector.load %arg6[%get3A_3, %get3A_4, %get3A_5] : memref<1x1x128xf32, #tpu.memory_space<vmem>>, vector<1x1x128xf32>
    %get3A_7 = vector.shape_cast %get3A_6 : vector<1x1x128xf32> to vector<1x128xf32>
    %eq3A = arith.constant 0 : i32
    %eq3A_8 = arith.cmpi eq, %arg0, %eq3A : i32
    %convert_element_type3A = arith.extui %eq3A_8 : i1 to i32
    %cond3A = arith.constant 0 : i32
    %cond3A_9 = arith.cmpi ne, %convert_element_type3A, %cond3A : i32
    scf.if %cond3A_9 {
      %get3A_32 = arith.constant 0 : index
      %get3A_33 = arith.constant 0 : index
      %get3A_34 = vector.load %arg4[%get3A_32, %get3A_33] : memref<2000x128xf32, #tpu.memory_space<vmem>>, vector<2000x128xf32>
      %add3A_35 = vector.broadcast %get3A_7 : vector<1x128xf32> to vector<2000x128xf32>
      %add3A_36 = arith.addf %get3A_34, %add3A_35 : vector<2000x128xf32>
      %swap3A = arith.constant 0 : index
      %swap3A_37 = arith.constant 0 : index
      %swap3A_38 = vector.load %arg9[%swap3A, %swap3A_37] : memref<2000x128xf32, #tpu.memory_space<vmem>>, vector<2000x128xf32>
      tpu.vector_store %arg9[%swap3A, %swap3A_37], %add3A_36 {strides = array<i32>} : memref<2000x128xf32, #tpu.memory_space<vmem>>, vector<2000x128xf32>,
    } else {
    }
    %gt3A = arith.constant 0 : i32
    %gt3A_10 = arith.cmpi sgt, %arg0, %gt3A : i32
    %lt3A = arith.cmpi slt, %arg0, %get3A_0 : i32
    %and3A = arith.andi %gt3A_10, %lt3A : i1
    %convert_element_type3A_11 = arith.extui %and3A : i1 to i32
    %cond3A_12 = arith.constant 0 : i32
    %cond3A_13 = arith.cmpi ne, %convert_element_type3A_11, %cond3A_12 : i32
    scf.if %cond3A_13 {
      %get3A_32 = arith.constant 0 : index
      %get3A_33 = arith.constant 0 : index
      %get3A_34 = vector.load %arg9[%get3A_32, %get3A_33] : memref<2000x128xf32, #tpu.memory_space<vmem>>, vector<2000x128xf32>
      %get3A_35 = arith.constant 0 : index
      %get3A_36 = arith.constant 0 : index
      %get3A_37 = vector.load %arg4[%get3A_35, %get3A_36] : memref<2000x128xf32, #tpu.memory_space<vmem>>, vector<2000x128xf32>
      %add3A_38 = vector.broadcast %get3A_7 : vector<1x128xf32> to vector<2000x128xf32>
      %add3A_39 = arith.addf %get3A_37, %add3A_38 : vector<2000x128xf32>
      %max3A = arith.maximumf %get3A_34, %add3A_39 : vector<2000x128xf32>
      %swap3A = arith.constant 0 : index
      %swap3A_40 = arith.constant 0 : index
      %swap3A_41 = vector.load %arg9[%swap3A, %swap3A_40] : memref<2000x128xf32, #tpu.memory_space<vmem>>, vector<2000x128xf32>
      tpu.vector_store %arg9[%swap3A, %swap3A_40], %max3A {strides = array<i32>} : memref<2000x128xf32, #tpu.memory_space<vmem>>, vector<2000x128xf32>,
    } else {
    }
    %eq3A_14 = arith.constant 157 : i32
    %eq3A_15 = arith.cmpi eq, %arg0, %eq3A_14 : i32
    %convert_element_type3A_16 = arith.extui %eq3A_15 : i1 to i32
    %cond3A_17 = arith.constant 0 : i32
    %cond3A_18 = arith.cmpi ne, %convert_element_type3A_16, %cond3A_17 : i32
    scf.if %cond3A_18 {
      %get3A_32 = arith.constant 0 : index
      %get3A_33 = arith.constant 0 : index
      %get3A_34 = vector.load %arg5[%get3A_32, %get3A_33] : memref<2000x128xf32, #tpu.memory_space<vmem>>, vector<2000x128xf32>
      %add3A_35 = vector.broadcast %get3A_7 : vector<1x128xf32> to vector<2000x128xf32>
      %add3A_36 = arith.addf %get3A_34, %add3A_35 : vector<2000x128xf32>
      %swap3A = arith.constant 0 : index
      %swap3A_37 = arith.constant 0 : index
      %swap3A_38 = vector.load %arg10[%swap3A, %swap3A_37] : memref<2000x128xf32, #tpu.memory_space<vmem>>, vector<2000x128xf32>
      tpu.vector_store %arg10[%swap3A, %swap3A_37], %add3A_36 {strides = array<i32>} : memref<2000x128xf32, #tpu.memory_space<vmem>>, vector<2000x128xf32>,
    } else {
    }
    %gt3A_19 = arith.constant 157 : i32
    %gt3A_20 = arith.cmpi sgt, %arg0, %gt3A_19 : i32
    %add3A = arith.constant 157 : i32
    %add3A_21 = arith.addi %add3A, %get3A_2 : i32
    %lt3A_22 = arith.cmpi slt, %arg0, %add3A_21 : i32
    %and3A_23 = arith.andi %gt3A_20, %lt3A_22 : i1
    %convert_element_type3A_24 = arith.extui %and3A_23 : i1 to i32
    %cond3A_25 = arith.constant 0 : i32
    %cond3A_26 = arith.cmpi ne, %convert_element_type3A_24, %cond3A_25 : i32
    scf.if %cond3A_26 {
      %get3A_32 = arith.constant 0 : index
      %get3A_33 = arith.constant 0 : index
      %get3A_34 = vector.load %arg10[%get3A_32, %get3A_33] : memref<2000x128xf32, #tpu.memory_space<vmem>>, vector<2000x128xf32>
      %get3A_35 = arith.constant 0 : index
      %get3A_36 = arith.constant 0 : index
      %get3A_37 = vector.load %arg5[%get3A_35, %get3A_36] : memref<2000x128xf32, #tpu.memory_space<vmem>>, vector<2000x128xf32>
      %add3A_38 = vector.broadcast %get3A_7 : vector<1x128xf32> to vector<2000x128xf32>
      %add3A_39 = arith.addf %get3A_37, %add3A_38 : vector<2000x128xf32>
      %max3A = arith.maximumf %get3A_34, %add3A_39 : vector<2000x128xf32>
      %swap3A = arith.constant 0 : index
      %swap3A_40 = arith.constant 0 : index
      %swap3A_41 = vector.load %arg10[%swap3A, %swap3A_40] : memref<2000x128xf32, #tpu.memory_space<vmem>>, vector<2000x128xf32>
      tpu.vector_store %arg10[%swap3A, %swap3A_40], %max3A {strides = array<i32>} : memref<2000x128xf32, #tpu.memory_space<vmem>>, vector<2000x128xf32>,
    } else {
    }
    %eq3A_27 = arith.constant 235 : i32
    %eq3A_28 = arith.cmpi eq, %arg0, %eq3A_27 : i32
    %convert_element_type3A_29 = arith.extui %eq3A_28 : i1 to i32
    %cond3A_30 = arith.constant 0 : i32
    %cond3A_31 = arith.cmpi ne, %convert_element_type3A_29, %cond3A_30 : i32
    scf.if %cond3A_31 {
      %get3A_32 = arith.constant 0 : index
      %get3A_33 = arith.constant 0 : index
      %get3A_34 = vector.load %arg9[%get3A_32, %get3A_33] : memref<2000x128xf32, #tpu.memory_space<vmem>>, vector<2000x128xf32>
      %reduce_max3A = arith.constant dense<0xFF800000> : vector<2000xf32>
      %reduce_max3A_35 = vector.multi_reduction <maximumf>, %get3A_34, %reduce_max3A [1] : vector<2000x128xf32> to vector<2000xf32>
      %broadcast_in_dim3A = vector.shape_cast %reduce_max3A_35 : vector<2000xf32> to vector<2000x1xf32>
      %get3A_36 = arith.constant 0 : index
      %get3A_37 = arith.constant 0 : index
      %get3A_38 = vector.load %arg10[%get3A_36, %get3A_37] : memref<2000x128xf32, #tpu.memory_space<vmem>>, vector<2000x128xf32>
      %reduce_max3A_39 = arith.constant dense<0xFF800000> : vector<2000xf32>
      %reduce_max3A_40 = vector.multi_reduction <maximumf>, %get3A_38, %reduce_max3A_39 [1] : vector<2000x128xf32> to vector<2000xf32>
      %broadcast_in_dim3A_41 = vector.shape_cast %reduce_max3A_40 : vector<2000xf32> to vector<2000x1xf32>
      %max3A = arith.constant 0.000000e+00 : f32
      %max3A_42 = vector.broadcast %max3A : f32 to vector<2000x1xf32>
      %max3A_43 = arith.maximumf %broadcast_in_dim3A, %max3A_42 : vector<2000x1xf32>
      %max3A_44 = arith.constant 0.000000e+00 : f32
      %max3A_45 = vector.broadcast %max3A_44 : f32 to vector<2000x1xf32>
      %max3A_46 = arith.maximumf %broadcast_in_dim3A_41, %max3A_45 : vector<2000x1xf32>
      %get3A_47 = arith.constant 0 : index
      %get3A_48 = memref.load %arg3[%get3A_47] : memref<6xf32, #tpu.memory_space<smem>>
      %get3A_49 = arith.constant 1 : index
      %get3A_50 = memref.load %arg3[%get3A_49] : memref<6xf32, #tpu.memory_space<smem>>
      %get3A_51 = arith.constant 2 : index
      %get3A_52 = memref.load %arg3[%get3A_51] : memref<6xf32, #tpu.memory_space<smem>>
      %get3A_53 = arith.constant 3 : index
      %get3A_54 = memref.load %arg3[%get3A_53] : memref<6xf32, #tpu.memory_space<smem>>
      %get3A_55 = arith.constant 4 : index
      %get3A_56 = memref.load %arg3[%get3A_55] : memref<6xf32, #tpu.memory_space<smem>>
      %get3A_57 = arith.constant 5 : index
      %get3A_58 = memref.load %arg3[%get3A_57] : memref<6xf32, #tpu.memory_space<smem>>
      %lt3A_59 = vector.broadcast %get3A_52 : f32 to vector<2000x1xf32>
      %lt3A_60 = arith.cmpf olt, %max3A_43, %lt3A_59 : vector<2000x1xf32>
      %lt3A_61 = vector.broadcast %get3A_54 : f32 to vector<2000x1xf32>
      %lt3A_62 = arith.cmpf olt, %max3A_46, %lt3A_61 : vector<2000x1xf32>
      %and3A_63 = arith.andi %lt3A_60, %lt3A_62 : vector<2000x1xi1>
      %not3A = arith.constant dense<true> : vector<2000x1xi1>
      %not3A_64 = arith.xori %and3A_63, %not3A : vector<2000x1xi1>
      %gt3A_65 = vector.broadcast %get3A_48 : f32 to vector<2000x1xf32>
      %gt3A_66 = arith.cmpf ogt, %max3A_43, %gt3A_65 : vector<2000x1xf32>
      %gt3A_67 = vector.broadcast %get3A_50 : f32 to vector<2000x1xf32>
      %gt3A_68 = arith.cmpf ogt, %max3A_46, %gt3A_67 : vector<2000x1xf32>
      %or3A = arith.ori %gt3A_66, %gt3A_68 : vector<2000x1xi1>
      %and3A_69 = arith.andi %not3A_64, %or3A : vector<2000x1xi1>
      %convert_element_type3A_70 = arith.extui %and3A_69 : vector<2000x1xi1> to vector<2000x1xi32>
      %convert_element_type3A_71 = arith.sitofp %convert_element_type3A_70 : vector<2000x1xi32> to vector<2000x1xf32>
      %mul3A = vector.broadcast %get3A_58 : f32 to vector<2000x1xf32>
      %mul3A_72 = arith.mulf %mul3A, %convert_element_type3A_71 : vector<2000x1xf32>
      %convert_element_type3A_73 = arith.extui %and3A_63 : vector<2000x1xi1> to vector<2000x1xi32>
      %convert_element_type3A_74 = arith.sitofp %convert_element_type3A_73 : vector<2000x1xi32> to vector<2000x1xf32>
      %mul3A_75 = vector.broadcast %get3A_56 : f32 to vector<2000x1xf32>
      %mul3A_76 = arith.mulf %mul3A_75, %convert_element_type3A_74 : vector<2000x1xf32>
      %sub3A = arith.subf %mul3A_72, %mul3A_76 : vector<2000x1xf32>
      %get3A_77 = arith.constant 0 : index
      %get3A_78 = arith.constant 0 : index
      %get3A_79 = vector.load %arg7[%get3A_77, %get3A_78] : memref<2000x1xf32, #tpu.memory_space<vmem>>, vector<2000x1xf32>
      %add3A_80 = arith.addf %get3A_79, %sub3A : vector<2000x1xf32>
      %swap3A = arith.constant 0 : index
      %swap3A_81 = arith.constant 0 : index
      %swap3A_82 = vector.load %arg8[%swap3A, %swap3A_81] : memref<2000x1xf32, #tpu.memory_space<vmem>>, vector<2000x1xf32>
      tpu.vector_store %arg8[%swap3A, %swap3A_81], %add3A_80 {strides = array<i32>} : memref<2000x1xf32, #tpu.memory_space<vmem>>, vector<2000x1xf32>,
    } else {
    }
    return
  }
  func.func @transform_0(%arg0: i32, %arg1: memref<236xi32, #tpu.memory_space<smem>>, %arg2: memref<2xi32, #tpu.memory_space<smem>>, %arg3: memref<6xf32, #tpu.memory_space<smem>>) -> (i32, i32) {
    %get3A = arith.constant 0 : index
    %get3A_0 = memref.load %arg2[%get3A] : memref<2xi32, #tpu.memory_space<smem>>
    %sub3A = arith.constant 1 : i32
    %sub3A_1 = arith.subi %get3A_0, %sub3A : i32
    %min3A = arith.minsi %arg0, %sub3A_1 : i32
    %get3A_2 = arith.index_cast %min3A : i32 to index
    %get3A_3 = memref.load %arg1[%get3A_2] : memref<236xi32, #tpu.memory_space<smem>>
    %c0_i32 = arith.constant 0 : i32
    %c0_i32_4 = arith.constant 0 : i32
    return %c0_i32, %get3A_3 : i32, i32
  }
  func.func @transform_1(%arg0: i32, %arg1: memref<236xi32, #tpu.memory_space<smem>>, %arg2: memref<2xi32, #tpu.memory_space<smem>>, %arg3: memref<6xf32, #tpu.memory_space<smem>>) -> (i32, i32) {
    %get3A = arith.constant 1 : index
    %get3A_0 = memref.load %arg2[%get3A] : memref<2xi32, #tpu.memory_space<smem>>
    %add3A = arith.constant 157 : i32
    %add3A_1 = arith.addi %add3A, %get3A_0 : i32
    %sub3A = arith.constant 1 : i32
    %sub3A_2 = arith.subi %add3A_1, %sub3A : i32
    %jit3A = arith.constant 157 : i32
    %max3A = arith.maxsi %jit3A, %arg0 : i32
    %min3A = arith.minsi %sub3A_2, %max3A : i32
    %get3A_3 = arith.index_cast %min3A : i32 to index
    %get3A_4 = memref.load %arg1[%get3A_3] : memref<236xi32, #tpu.memory_space<smem>>
    %c0_i32 = arith.constant 0 : i32
    %c0_i32_5 = arith.constant 0 : i32
    return %c0_i32, %get3A_4 : i32, i32
  }
  func.func @transform_2(%arg0: i32, %arg1: memref<236xi32, #tpu.memory_space<smem>>, %arg2: memref<2xi32, #tpu.memory_space<smem>>, %arg3: memref<6xf32, #tpu.memory_space<smem>>) -> (i32, i32, i32) {
    %c0_i32 = arith.constant 0 : i32
    %c0_i32_0 = arith.constant 0 : i32
    %c0_i32_1 = arith.constant 0 : i32
    return %arg0, %c0_i32, %c0_i32_0 : i32, i32, i32
  }
  func.func @transform_3(%arg0: i32, %arg1: memref<236xi32, #tpu.memory_space<smem>>, %arg2: memref<2xi32, #tpu.memory_space<smem>>, %arg3: memref<6xf32, #tpu.memory_space<smem>>) -> (i32, i32) {
    %c0_i32 = arith.constant 0 : i32
    %c0_i32_0 = arith.constant 0 : i32
    %c0_i32_1 = arith.constant 0 : i32
    return %c0_i32, %c0_i32_0 : i32, i32
  }
  func.func @transform_4(%arg0: i32, %arg1: memref<236xi32, #tpu.memory_space<smem>>, %arg2: memref<2xi32, #tpu.memory_space<smem>>, %arg3: memref<6xf32, #tpu.memory_space<smem>>) -> (i32, i32) {
    %c0_i32 = arith.constant 0 : i32
    %c0_i32_0 = arith.constant 0 : i32
    %c0_i32_1 = arith.constant 0 : i32
    return %c0_i32, %c0_i32_0 : i32, i32
  }
}

</mosaic_0001>

<sc_bundles>
// kernel: scatter_offload_async_start.1
scs
__scs_entry_jumppad:
0x0: {  	(pc) =	sbr.rel $0x88, $3  }
0x1: {  	(tag) =	ssettag $0x0;
	lr =	simm.s32 $0x1  }
0x2: {  	[smem:$0x3F98] =	sst lr;
	_ =	strace $0xD0000000  }
0x3: {  	_ = 	snop  }
0x4: {  	_ = 	snop  }
0x5: {  	_ = 	snop  }
0x6: {  	_ = 	snop  }
0x7: {  	_ = 	snop  }
__scs_overlays_trampoline_lowered:
0x8: {  	[smem:$0x3FA7] =	sst s0  }
0x9: {  	[smem:$0x3FA8] =	sst s1  }
0xa: {  	[smem:$0x3FA9] =	sst s2  }
0xb: {  	[smem:$0x3FAA] =	sst s3  }
0xc: {  	[smem:$0x3FAB] =	sst s4  }
0xd: {  	[smem:$0x3FAC] =	sst s5  }
0xe: {  	[smem:$0x3FAD] =	sst s6  }
0xf: {  	[smem:$0x3FAE] =	sst s7  }
0x10: {  	[smem:$0x3FAF] =	sst s8  }
0x11: {  	[smem:$0x3FB0] =	sst s9;
	s0 =	simm.s32 @!p0 $0x0  }
0x12: {  	s1 =	sld [smem:$0x3F96];
	s0 =	simm.s32 @p0 $0x1  }
0x13: {  	[smem:$0x3FB1] =	sst s0;
	s0 =	simm.s32 @!p1 $0x0  }
0x14: {  	s2 =	sld [smem:$0x3F95];
	s0 =	simm.s32 @p1 $0x1  }
0x15: {  	[smem:$0x3FB2] =	sst s0;
	s0 =	simm.s32 @!p2 $0x0  }
0x16: {  	s3 =	sld [smem:$0x3FDB];
	s0 =	simm.s32 @p2 $0x1  }
0x17: {  	s4 =	simm.s32 $0x1BF5;
	[smem:$0x3FB4] =	sst s0  }
0x18: {  	s0 =	sld [smem:$0x3F97];
	_ =	swait.ge [sflag:s4], $0x0  }
0x19: {  	s7 =	sld [smem:$0x3F98]  }
0x1a: {  	s8 =	sadd.s32 $0xFFFFE003, lr  }
0x1b: {  	s9 =	sadd.s32 $0xFFFFFEF7, lr;
	s5 =	simm.s32 $0xFFFFFFFF;
	p2 =	slt.u32 s8, $0xFFFFF086  }
0x1c: {  	p1 =	slt.u32 s9, $0xF7A;
	s5 =	simm.s32 @!p2 $0x0  }
0x1d: {  	s5 =	simm.s32 @p1 $0x1;
	p0 =	seq.s32 s7, s2  }
0x1e: {  	s7 =	smul.u32 @!p0 $0xF7A, s2;
	p2 =	seq.s32 @!p0 s5, $0x0  }
0x1f: {  	s9 =	smul.u32 $0xF7A, s1;
	s8 =	simm.s32 @!p0 $0x1BF5;
	p2 =	por !p2, p0  }
0x20: {  	[sflag:s8] =	ssyncset.s32 @!p0 $0xFFFFF086;
	s6 =	sadd.s32 @!p0 s3, s7;
	s7 =	simm.s32 @!p0 $0x108  }
0x21: {  	s3 =	sadd.s32 s3, s9;
	s6 =	sadd.s32 @!p0 $0x88, s6;
	s7 =	simm.s32 @p2 $0x1082  }
0x22: {  	[simem:s7], [sflag:s8] =	dma.local @!p0 [hbm:s6], $0xF7A  }
0x23: {  	s9 =	sor.u32 $0xD0000000, s2;
	s6 =	simm.s32 $0x108;
	_ =	swait.ge @!p0 [sflag:s8], $0x0  }
0x24: {  	s3 =	sadd.s32 $0x88, s3;
	s6 =	simm.s32 @!p1 $0x1082;
	[sflag:s4] =	ssyncset.s32 $0xFFFFF086  }
0x25: {  	[simem:s6], [sflag:s4] =	dma.local [hbm:s3], $0xF7A  }
0x26: {  	[smem:$0x3F98] =	sst s1;
	(tag) =	ssettag s2;
	_ =	strace s9  }
0x27: {  	s1 =	sld [smem:$0x3FA8]  }
0x28: {  	s2 =	sld [smem:$0x3FA9]  }
0x29: {  	s4 =	sld [smem:$0x3FAB]  }
0x2a: {  	p0 =	seq.s32 s5, $0x0;
	s5 =	sld [smem:$0x3FAC]  }
0x2b: {  	s6 =	sld [smem:$0x3FAD]  }
0x2c: {  	s7 =	sld [smem:$0x3FAE]  }
0x2d: {  	s3 =	simm.s32 $0x108;
	s8 =	sld [smem:$0x3FAF]  }
0x2e: {  	s3 =	simm.s32 @!p0 $0x1082;
	s9 =	sld [smem:$0x3FB0]  }
0x2f: {  	lr =	sadd.s32 s0, s3;
	s0 =	sld [smem:$0x3FA7]  }
0x30: {  	s3 =	sld [smem:$0x3FAA]  }
0x31: {  	[smem:$0x3FB3] =	sst s10  }
0x32: {  	s10 =	sld [smem:$0x3FB1];
	_ =	sdelay $0x3  }
0x33: {  	p0 =	seq.s32 s10, $0x1;
	s10 =	sld [smem:$0x3FB3];
	_ =	sdelay $0x3  }
0x34: {  	[smem:$0x3FB3] =	sst s10  }
0x35: {  	s10 =	sld [smem:$0x3FB2];
	_ =	sdelay $0x3  }
0x36: {  	p1 =	seq.s32 s10, $0x1;
	s10 =	sld [smem:$0x3FB3];
	_ =	sdelay $0x3  }
0x37: {  	[smem:$0x3FB3] =	sst s10  }
0x38: {  	s10 =	sld [smem:$0x3FB4]  }
0x39: {  	_ = 	snop;
	(pc) =	sbr.ind lr, $3  }
0x3a: {  	_ = 	snop  }
0x3b: {  	_ = 	snop  }
0x3c: {  	p2 =	seq.s32 s10, $0x1;
	s10 =	sld [smem:$0x3FB3]  }
0x3d: {  	_ =	shalt  }
0x3e: {  	_ =	shalt  }
0x3f: {  	_ =	shalt  }
0x40: {  	_ =	shalt  }
0x41: {  	_ =	shalt  }
0x42: {  	_ =	shalt  }
0x43: {  	_ =	shalt  }
0x44: {  	_ =	shalt  }
0x45: {  	_ =	shalt  }
0x46: {  	_ =	shalt  }
0x47: {  	_ =	shalt  }
0x48: {  	_ =	shalt  }
0x49: {  	_ =	shalt  }
0x4a: {  	_ =	shalt  }
0x4b: {  	_ =	shalt  }
0x4c: {  	_ =	shalt  }
0x4d: {  	_ =	shalt  }
0x4e: {  	_ =	shalt  }
0x4f: {  	_ =	shalt  }
0x50: {  	_ =	shalt  }
0x51: {  	_ =	shalt  }
0x52: {  	_ =	shalt  }
0x53: {  	_ =	shalt  }
0x54: {  	_ =	shalt  }
0x55: {  	_ =	shalt  }
0x56: {  	_ =	shalt  }
0x57: {  	_ =	shalt  }
0x58: {  	_ =	shalt  }
0x59: {  	_ =	shalt  }
0x5a: {  	_ =	shalt  }
0x5b: {  	_ =	shalt  }
0x5c: {  	_ =	shalt  }
0x5d: {  	_ =	shalt  }
0x5e: {  	_ =	shalt  }
0x5f: {  	_ =	shalt  }
0x60: {  	_ =	shalt  }
0x61: {  	_ =	shalt  }
0x62: {  	_ =	shalt  }
0x63: {  	_ =	shalt  }
0x64: {  	_ =	shalt  }
0x65: {  	_ =	shalt  }
0x66: {  	_ =	shalt  }
0x67: {  	_ =	shalt  }
0x68: {  	_ =	shalt  }
0x69: {  	_ =	shalt  }
0x6a: {  	_ =	shalt  }
0x6b: {  	_ =	shalt  }
0x6c: {  	_ =	shalt  }
0x6d: {  	_ =	shalt  }
0x6e: {  	_ =	shalt  }
0x6f: {  	_ =	shalt  }
0x70: {  	_ =	shalt  }
0x71: {  	_ =	shalt  }
0x72: {  	_ =	shalt  }
0x73: {  	_ =	shalt  }
0x74: {  	_ =	shalt  }
0x75: {  	_ =	shalt  }
0x76: {  	_ =	shalt  }
0x77: {  	_ =	shalt  }
0x78: {  	_ =	shalt  }
0x79: {  	_ =	shalt  }
0x7a: {  	_ =	shalt  }
0x7b: {  	_ =	shalt  }
0x7c: {  	_ =	shalt  }
0x7d: {  	_ =	shalt  }
0x7e: {  	_ =	shalt  }
0x7f: {  	_ =	shalt  }
0x80: {  	_ =	shalt  }
0x81: {  	_ =	shalt  }
0x82: {  	_ =	shalt  }
0x83: {  	_ =	shalt  }
0x84: {  	_ =	shalt  }
0x85: {  	_ =	shalt  }
0x86: {  	_ =	shalt  }
0x87: {  	_ =	shalt  }
.Lfunc_end0:
.L_simem_size_0:
called_computation.1_lowered:
.L_overlay_start_0:
0x88: {  	s0 =	sld [smem:$0x3FD9]  }
0x89: {  	s1 =	sld [smem:$0x3FFE];
	_ =	sdelay $0x3  }
0x8a: {  	s0 =	sadd.s32 s1, s0  }
0x8b: {  	[smem:$0x3FBF] =	sst s0  }
0x8c: {  	_ = 	snop  }
0x8d: {  	s0 =	sld [smem:$0x3FD0];
	(tm) =	ssettm $0x1  }
0x8e: {  	s16 =	sld [smem:$0x3FFB];
	_ =	sdelay $0x3  }
0x8f: {  	_ =	strace s16  }
0x90: {  	s1 =	sld [smem:$0x3FFC];
	_ =	sdelay $0x3  }
0x91: {  	_ =	strace s1  }
0x92: {  	s1 =	sld [smem:$0x3FFD];
	_ =	sdelay $0x3  }
0x93: {  	_ =	strace s1  }
0x94: {  	_ =	strace $0x8FFFFFFF  }
0x95: {  	s17 =	sld [smem:$0x3FDB];
	_ =	sdelay $0x1  }
0x96: {  	s2 =	simm.s32 $_scs_section_size  }
0x97: {  	s3 =	simm.s32 $_size__tile_overlayer_lowered;
	s4 =	simm.s32 $_tile_overlayer_lowered  }
0x98: {  	s20 =	simm.s32 $0x1BFF;
	s19 =	sshll.u32 s4, $0x1;
	s1 =	sadd.s32 s2, s17  }
0x99: {  	s5 =	simm.s32 $0x0;
	s18 =	sshll.u32 s3, $0x1;
	s3 =	sadd.s32 s19, s1  }
0x9a: {  	[timem:s5], [sflag:s20] =	dma.local [hbm:s3], s18  }
0x9b: {  	_ =	swait.ge [sflag:s20], s18  }
0x9c: {  	s2 =	ssub.s32 $0x0, s18;
	[sflag:s20] =	ssyncset.done $0x0  }
0x9d: {  	[sflag:s20] =	ssyncadd.s32 s2;
	_ =	sdelay $0x1  }
0x9e: {  	s21 =	simm.s32 $0x1B8B  }
0x9f: {  	_ =	swait.ge [sflag:s21], $0x1  }
0xa0: {  	[sflag:s21] =	ssyncset.done $0x0  }
0xa1: {  	s23 =	simm.s32 $0x1B8E;
	s22 =	sld [smem:$0x3FFE];
	[sflag:s21] =	ssyncadd.s32 $0xFFFFFFFF  }
0xa2: {  	s24 =	simm.s32 $execute0_lowered;
	[smem:$0x3FD2] =	sst s23  }
0xa3: {  	s3 =	sshll.u32 s24, $0x1;
	_ =	strace $0x80000046;
	[dreg:$0x1] =	wrdreg $0xFFFFFFFF  }
0xa4: {  	s25 =	simm.s32 $_size_execute0_lowered;
	s1 =	sadd.s32 s1, s3;
	[dreg:$0x0] =	wrdreg $0x0  }
0xa5: {  	s3 =	sshll.u32 s25, $0x1;
	[dreg:$0x2] =	wrdreg s1  }
0xa6: {  	[dreg:$0x3] =	wrdreg s3  }
0xa7: {  	[dreg:$0x4] =	wrdreg $0xC0  }
0xa8: {  	_ =	task [dreg:s5], $0x5FFFF  }
0xa9: {  	[dreg:$0x1] =	wrdreg $0xFFFFFFFF  }
0xaa: {  	[dreg:$0x0] =	wrdreg $0x60  }
0xab: {  	[dreg:$0x2] =	wrdreg s0  }
0xac: {  	[dreg:$0x3] =	wrdreg s22  }
0xad: {  	[dreg:$0x4] =	wrdreg $0x9  }
0xae: {  	_ =	task.clear_ibuf [dreg:s5], $0x5FFFF;
	_ =	strace $0x90000046  }
0xaf: {  	s26 =	simm.s32 $0x9;
	_ =	strace $0x80000048  }
0xb0: {  	_ =	swait.ge [sflag:s26], $0x1  }
0xb1: {  	[sflag:s26] =	ssyncadd.s32 $0xFFFFFFFF  }
0xb2: {  	_ =	strace $0x90000048  }
0xb3: {  	_ =	sfence  }
0xb4: {  	s28 =	sld [smem:$0x0];
	_ =	sdelay $0x1  }
0xb5: {  	s29 =	srdreg.scid  }
0xb6: {  	s30 =	sshll.u32 s29, $0xD;
	s31 =	sshrl.u32 s29, $0x2  }
0xb7: {  	s2 =	sand.u32 $0x4000, s30;
	s1 =	sand.u32 $0x1, s29;
	s0 =	sadd.s32 s31, s28  }
0xb8: {  	s1 =	sor.u32 s2, s1;
	s0 =	sshll.u32 s0, $0x11  }
0xb9: {  	s0 =	sor.u32 s0, s1  }
0xba: {  	s0 =	sadd.s32 $0x8F2B, s0  }
0xbb: {  	[sflag:s0] =	ssyncadd.remote.s32 $0x1  }
0xbc: {  	_ =	sfence.sel $0xFFFF  }
0xbd: {  	[dreg:$0x0] =	wrdreg $0xFFFFFFFF;
	(pc) =	sbr.abs _section_cstart, $3  }
0xbe: {  	[dreg:$0x1] =	wrdreg $0xFFFFFFFF  }
0xbf: {  	_ =	task.clear_ibuf [dreg:s5], $0x2FFFF;
	_ =	strace $0x9FFFFFFF  }
0xc0: {  	(tm) =	ssettm $0x7FFFFFFF  }
0xc1: {  	_ =	shalt  }
tec
execute0_lowered:
.L_overlay_start_1:
0x0: {  	(tag) =	ssettag $0x1  }
0x1: {  	s1 =	rddreg [dreg:$0x0]  }
0x2: {  	s4 =	rddreg [dreg:$0x1]  }
0x3: {  	s0 =	rddreg [dreg:$0x2];
	s3 =	stileid.u32  }
0x4: {  	_ =	strace $0x80000047;
	s6 =	simm.s32 $0x3E;
	p0 =	sne.s32 s3, $0x0  }
0x5: {  	[sflag:s6] =	ssyncpa.u1 $0x0;
	s31 =	smin.u32 s3, $0x4;
	p1 =	slt.u32 s3, $0x4  }
0x6: {  	s3 =	simm.s32 $0x10;
	s5 =	simm.s32 @!p0 $0x1C3E;
	s2 =	simm.s32 @!p0 $0x0  }
0x7: {  	[spmem:s2], [sflag:s5] =	dma.local @!p0 [hbm:s1], $0x10  }
0x8: {  	s3 =	simm.s32 @!p1 $0x0;
	s5 =	sshll.u32 s31, $0x4  }
0x9: {  	s3 =	sadd.s32 s3, s5  }
0xa: {  	s9 =	smin.u32 s3, $0x40  }
0xb: {  	s8 =	ssub.s32 s9, s5  }
0xc: {  	p1 =	sgt.s32 s8, $0x0  }
0xd: {  	s7 =	simm.s32 @!p0 $0x3E;
	s8 =	simm.s32 @!p1 $0x0  }
0xe: {  	_ =	swait.ge @!p0 [sflag:s7], $0x10;
	s10 =	sshrl.u32 s8, $0x4  }
0xf: {  	[sflag:s7] =	ssyncset.done @!p0 $0x0;
	s11 =	sadd.s32 $0x1, s10  }
0x10: {  	p3 =	por $0x0, $0x0;
	[sflag:s7] =	ssyncadd.s32 @!p0 $0xFFFFFFF0;
	p1 =	sne.s32 s11, $0x1  }
.Ltmp0:
0x11: {  	s3 =	simm.s32 $0x1;
	[bflag:$0x0] =	sbarrier.arrive $0xFFFF;
	(pc) =	sbr.rel @!p1 .LBB2_1-.Ltmp0, $4  }
0x12: {  	s7 =	sadd.s32 $0xA00, s4;
	[sflag:s6] =	ssyncpa.u1 $0x1;
	s6 =	sadd.s32 $0x800, s4  }
0x13: {  	s4 =	simm.s32 $0x2;
	s8 =	simm.s32 $0x0;
	p2 =	sle.u32 s10, $0x0  }
0x14: {  	[sflag:s3] =	ssyncpa.u1 $0x0;
	(ifvalue) =	ssetifvalue $0x80;
	s12 =	sxor.u32 @!p2 $0xFFFFFFFF, s8  }
0x15: {  	[sflag:s4] =	ssyncpa.u1 $0x0;
	s15 =	sshrl.u32 @!p2 s5, $0x3;
	s16 =	sand.u32 @!p2 $0x10, s12  }
0x16: {  	s12 =	sadd.s32 @!p2 s7, s15  }
0x17: {  	s13 =	sor.u32 @!p2 $0x8, s16;
	s14 =	sand.u32 @!p2 $0x7, s5;
	p1 =	por $0x1, $0x1  }
0x18: {  	[tilespmem:s13], [sflag:$0x2] =	stream.linear.gather @!p2 [hbm4b:s12+s14], $0x10, $0x38;
	[tilespmem:$0x48] =	vst v63  }
0x19: {  	s15 =	sadd.s32 @!p2 s6, s15;
	s12 =	sor.u32 @!p2 $0x28, s16;
	s13 =	simm.s32 @!p1 $0x2  }
0x1a: {  	[tilespmem:s12], [sflag:$0x2] =	stream.linear.gather @!p2 [hbm4b:s15+s14], $0x10, $0x38;
	[tilespmem:$0x48] =	vst v63  }
0x1b: {  	_ =	swait.ge @!p1 [sflag:s13], $0x20  }
0x1c: {  	s8 =	sand.u32 @!p1 $0x10, s8;
	[sflag:s13] =	ssyncset.done @!p1 $0x0  }
0x1d: {  	s12 =	sor.u32 @!p1 $0x8, s8;
	[sflag:s13] =	ssyncadd.s32 @!p1 $0xFFFFFFE0  }
0x1e: {  	v0 =	vld.msk @!p1 [tilespmem:s12+$0x0 ss:$0x1], $0xffff;
	_ =	sdelay $0x3  }
0x1f: {  	p4 =	sne.s32 s11, $0x2  }
.Ltmp1:
0x20: {  	s18 =	simm.s32 @!p1 $0x0;
	s17 =	simm.s32 @!p1 $0x1;
	v0 =	vmin.u32 @!p1 v0, $0x80;
	(pc) =	sbr.rel @!p4 .LBB2_3-.Ltmp1, $4  }
0x21: {  	s15 =	sadd.s32 $0x10, s5;
	p2 =	sle.u32 s10, $0x1;
	s14 =	smov.u32 s5  }
0x22: {  	p3 =	slt.s32 s15, s9;
	s13 =	sor.u32 @!p1 $0x28, s8;
	s8 =	simm.s32 $0x10  }
0x23: {  	s14 =	smov.u32 @p3 s15;
	p3 =	por $0x1, $0x1;
	s16 =	sxor.u32 @!p2 $0xFFFFFFFF, s8  }
0x24: {  	vm0 =	vmmov @!p1 $0xffff;
	s15 =	sshrl.u32 @!p2 s14, $0x3;
	s12 =	simm.s32 $0x2;
	s16 =	sand.u32 @!p2 $0x10, s16  }
.LBB2_4:
0x25: {  	[spmem:s18] =	stream.indirect_vreg.scatter.add.s32 @!p1 [tilespmem:s13], [sflag:$0x1], $0x1, v0, vm0, $0x4038;
	[tilespmem:$0x48] =	vst v63  }
0x26: {  	s13 =	sadd.s32 @!p2 s7, s15;
	s18 =	sor.u32 @!p2 $0x8, s16;
	_ =	swait.ge @!p1 [sflag:s17], $0x10  }
0x27: {  	s19 =	smov.u32 s12;
	s12 =	sadd.s32 $0x1, s12;
	[sflag:s17] =	ssyncset.done @!p1 $0x0  }
0x28: {  	s20 =	sand.u32 @!p2 $0x7, s14;
	[sflag:s17] =	ssyncadd.s32 @!p1 $0xFFFFFFF0;
	p1 =	seq.s32 s8, $0x0  }
0x29: {  	[tilespmem:s18], [sflag:$0x2] =	stream.linear.gather @!p2 [hbm4b:s13+s20], $0x10, $0x38;
	[tilespmem:$0x48] =	vst v63  }
0x2a: {  	s16 =	sor.u32 @!p2 $0x28, s16;
	s17 =	simm.s32 @!p1 $0x2;
	s13 =	sand.u32 @!p1 $0x10, s8  }
0x2b: {  	s15 =	sadd.s32 @!p2 s6, s15;
	s18 =	sor.u32 @!p1 $0x8, s13;
	s13 =	sor.u32 @!p1 $0x28, s13  }
0x2c: {  	[tilespmem:s16], [sflag:$0x2] =	stream.linear.gather @!p2 [hbm4b:s15+s20], $0x10, $0x38;
	[tilespmem:$0x48] =	vst v63  }
0x2d: {  	p4 =	sne.s32 s11, s12;
	_ =	swait.ge @!p1 [sflag:s17], $0x20  }
0x2e: {  	[sflag:s17] =	ssyncset.done @!p1 $0x0  }
0x2f: {  	[sflag:s17] =	ssyncadd.s32 @!p1 $0xFFFFFFE0  }
0x30: {  	v0 =	vld.msk @!p1 [tilespmem:s18+$0x0 ss:$0x1], $0xffff;
	_ =	sdelay $0x5  }
.Ltmp2:
0x31: {  	s8 =	sadd.s32 $0x10, s8;
	v0 =	vmin.u32 @!p1 v0, $0x80;
	(pc) =	sbr.rel @p4 .LBB2_4-.Ltmp2, $4  }
0x32: {  	vm0 =	vmmov @!p1 $0xffff;
	s15 =	sadd.s32 $0x10, s14;
	p2 =	sge.u32 s19, s10;
	s18 =	simm.s32 @!p1 $0x0  }
0x33: {  	s14 =	smov.u32 s5;
	p5 =	slt.s32 s15, s9;
	s17 =	simm.s32 @!p1 $0x1  }
0x34: {  	s16 =	sxor.u32 @!p2 $0xFFFFFFFF, s8;
	s14 =	smov.u32 @p5 s15  }
0x35: {  	s16 =	sand.u32 @!p2 $0x10, s16;
	s15 =	sshrl.u32 @!p2 s14, $0x3  }
0x36: {  	s5 =	smov.u32 s14  }
.LBB2_6:
0x37: {  	_ =	sdelay $0x2  }
0x38: {  	p3 =	por p1, !p3  }
0x39: {  	[spmem:s18] =	stream.indirect_vreg.scatter.add.s32 @!p3 [tilespmem:s13], [sflag:$0x1], $0x1, v0, vm0, $0x4038;
	[tilespmem:$0x48] =	vst v63  }
0x3a: {  	_ =	swait.ge @!p3 [sflag:s17], $0x10  }
0x3b: {  	s7 =	sadd.s32 @!p2 s7, s15;
	s9 =	sor.u32 @!p2 $0x8, s16;
	[sflag:s17] =	ssyncset.done @!p3 $0x0  }
0x3c: {  	s5 =	sand.u32 @!p2 $0x7, s5;
	p1 =	seq.s32 s8, $0x0;
	[sflag:s17] =	ssyncadd.s32 @!p3 $0xFFFFFFF0  }
0x3d: {  	[tilespmem:s9], [sflag:$0x2] =	stream.linear.gather @!p2 [hbm4b:s7+s5], $0x10, $0x38;
	[tilespmem:$0x48] =	vst v63  }
0x3e: {  	s6 =	sadd.s32 @!p2 s6, s15;
	s7 =	sor.u32 @!p2 $0x28, s16;
	s9 =	simm.s32 @!p1 $0x2  }
0x3f: {  	[tilespmem:s7], [sflag:$0x2] =	stream.linear.gather @!p2 [hbm4b:s6+s5], $0x10, $0x38;
	[tilespmem:$0x48] =	vst v63  }
0x40: {  	_ =	swait.ge @!p1 [sflag:s9], $0x20  }
0x41: {  	s5 =	sand.u32 @!p1 $0x10, s8;
	[sflag:s9] =	ssyncset.done @!p1 $0x0  }
0x42: {  	s6 =	sor.u32 @!p1 $0x8, s5;
	[sflag:s9] =	ssyncadd.s32 @!p1 $0xFFFFFFE0  }
0x43: {  	v0 =	vld.msk @!p1 [tilespmem:s6+$0x0 ss:$0x1], $0xffff;
	_ =	sdelay $0x4  }
0x44: {  	v0 =	vmin.u32 @!p1 v0, $0x80;
	_ =	sdelay $0x3  }
0x45: {  	vm0 =	vmmov @!p1 $0xffff;
	s7 =	simm.s32 @!p1 $0x1;
	s5 =	sor.u32 @!p1 $0x28, s5;
	s6 =	simm.s32 @!p1 $0x0  }
0x46: {  	[spmem:s6] =	stream.indirect_vreg.scatter.add.s32 @!p1 [tilespmem:s5], [sflag:$0x1], $0x1, v0, vm0, $0x4038;
	[tilespmem:$0x48] =	vst v63  }
0x47: {  	_ =	swait.ge @!p1 [sflag:s7], $0x10  }
0x48: {  	[sflag:s7] =	ssyncset.done @!p1 $0x0  }
0x49: {  	[sflag:s7] =	ssyncadd.s32 @!p1 $0xFFFFFFF0  }
0x4a: {  	_ =	sfence.sel $0x180000  }
0x4b: {  	[bflag:$0x0] =	sbarrier.arrive $0xFFFF  }
0x4c: {  	[sflag:s4] =	ssyncpa.u1 $0x1  }
0x4d: {  	[sflag:s3] =	ssyncpa.u1 $0x1  }
0x4e: {  	_ =	sfence.stream.spmem  }
0x4f: {  	s31 =	simm.s32 $0x3D;
	[bflag:$0x0] =	sbarrier.arrive $0xFFFF  }
0x50: {  	s3 =	simm.s32 @p0 $0x3D;
	[sflag:s31] =	ssyncpa.u1 $0x0  }
0x51: {  	[sflag:s3] =	ssyncpa.u1 @p0 $0x1  }
0x52: {  	[bflag:$0x0] =	sbarrier.arrive @p0 $0xFFFF  }
0x53: {  	_ =	strace @p0 $0x90000047  }
0x54: {  	s3 =	simm.s32 @!p0 $0x1C3D;
	[bflag:$0x2] =	sbarrier.arrive @p0 $0xFFFF  }
0x55: {  	[hbm:s1], [sflag:s3] =	dma.local @!p0 [spmem:s2], $0x10  }
0x56: {  	s1 =	simm.s32 @!p0 $0x3D  }
0x57: {  	_ =	swait.ge @!p0 [sflag:s1], $0x10  }
0x58: {  	[sflag:s1] =	ssyncset.done @!p0 $0x0  }
0x59: {  	[sflag:s1] =	ssyncadd.s32 @!p0 $0xFFFFFFF0  }
0x5a: {  	[sflag:s1] =	ssyncpa.u1 @!p0 $0x1  }
0x5b: {  	[bflag:$0x0] =	sbarrier.arrive @!p0 $0xFFFF  }
0x5c: {  	_ =	strace @!p0 $0x90000047  }
0x5d: {  	s0 =	sadd.s32 @!p0 $0x100000, s0;
	[bflag:$0x2] =	sbarrier.arrive @!p0 $0xFFFF  }
0x5e: {  	[sflag:s0] =	ssyncadd.tile.s32 @!p0 $0x1;
	_ =	shalt  }
.LBB2_1:
.Ltmp3:
0x5f: {  	(pc) =	sbr.rel .LBB2_6-.Ltmp3, $2  }
0x60: {  	_ =	sdelay $0x2  }
0x61: {  	_ = 	snop  }
.LBB2_3:
.Ltmp4:
0x62: {  	(pc) =	sbr.rel .LBB2_6-.Ltmp4, $2  }
0x63: {  	_ =	sdelay $0x2  }
0x64: {  	s5 =	smov.u32 s14  }
.Lfunc_end2:
_tile_overlayer_lowered:
.L_overlay_start_2:
0x65: {  	(tag) =	ssettag $0x2  }
0x66: {  	s0 =	rddreg [dreg:$0x0];
	s2 =	stileid.u32  }
0x67: {  	s1 =	rddreg [dreg:$0x1];
	p0 =	sne.s32 s2, $0x0  }
0x68: {  	s3 =	rddreg [dreg:$0x2];
	[bflag:$0x3] =	sbarrier.arrive $0xFFFF;
	s2 =	simm.s32 @!p0 $0x1C01  }
0x69: {  	[timem:s3], [sflag:s2] =	dma.local @!p0 [hbm:s0], s1  }
0x6a: {  	s0 =	simm.s32 @!p0 $0x1  }
0x6b: {  	_ =	swait.ge @!p0 [sflag:s0], s1  }
0x6c: {  	s1 =	ssub.s32 @!p0 $0x0, s1;
	[sflag:s0] =	ssyncset.done @!p0 $0x0  }
0x6d: {  	[sflag:s0] =	ssyncadd.s32 @!p0 s1  }
0x6e: {  	[bflag:$0x3] =	sbarrier.arrive $0xFFFF  }
0x6f: {  	_ =	shalt  }

// kernel: scatter_offload_async_start
scs
__scs_entry_jumppad:
0x0: {  	(pc) =	sbr.rel $0x88, $3  }
0x1: {  	(tag) =	ssettag $0x0;
	lr =	simm.s32 $0x1  }
0x2: {  	[smem:$0x3F98] =	sst lr;
	_ =	strace $0xD0000000  }
0x3: {  	_ = 	snop  }
0x4: {  	_ = 	snop  }
0x5: {  	_ = 	snop  }
0x6: {  	_ = 	snop  }
0x7: {  	_ = 	snop  }
__scs_overlays_trampoline_lowered:
0x8: {  	[smem:$0x3FA7] =	sst s0  }
0x9: {  	[smem:$0x3FA8] =	sst s1  }
0xa: {  	[smem:$0x3FA9] =	sst s2  }
0xb: {  	[smem:$0x3FAA] =	sst s3  }
0xc: {  	[smem:$0x3FAB] =	sst s4  }
0xd: {  	[smem:$0x3FAC] =	sst s5  }
0xe: {  	[smem:$0x3FAD] =	sst s6  }
0xf: {  	[smem:$0x3FAE] =	sst s7  }
0x10: {  	[smem:$0x3FAF] =	sst s8  }
0x11: {  	[smem:$0x3FB0] =	sst s9;
	s0 =	simm.s32 @!p0 $0x0  }
0x12: {  	s1 =	sld [smem:$0x3F96];
	s0 =	simm.s32 @p0 $0x1  }
0x13: {  	[smem:$0x3FB1] =	sst s0;
	s0 =	simm.s32 @!p1 $0x0  }
0x14: {  	s2 =	sld [smem:$0x3F95];
	s0 =	simm.s32 @p1 $0x1  }
0x15: {  	[smem:$0x3FB2] =	sst s0;
	s0 =	simm.s32 @!p2 $0x0  }
0x16: {  	s3 =	sld [smem:$0x3FDB];
	s0 =	simm.s32 @p2 $0x1  }
0x17: {  	s4 =	simm.s32 $0x1BF5;
	[smem:$0x3FB4] =	sst s0  }
0x18: {  	s0 =	sld [smem:$0x3F97];
	_ =	swait.ge [sflag:s4], $0x0  }
0x19: {  	s7 =	sld [smem:$0x3F98]  }
0x1a: {  	s8 =	sadd.s32 $0xFFFFE003, lr  }
0x1b: {  	s9 =	sadd.s32 $0xFFFFFEF7, lr;
	s5 =	simm.s32 $0xFFFFFFFF;
	p2 =	slt.u32 s8, $0xFFFFF086  }
0x1c: {  	p1 =	slt.u32 s9, $0xF7A;
	s5 =	simm.s32 @!p2 $0x0  }
0x1d: {  	s5 =	simm.s32 @p1 $0x1;
	p0 =	seq.s32 s7, s2  }
0x1e: {  	s7 =	smul.u32 @!p0 $0xF7A, s2;
	p2 =	seq.s32 @!p0 s5, $0x0  }
0x1f: {  	s9 =	smul.u32 $0xF7A, s1;
	s8 =	simm.s32 @!p0 $0x1BF5;
	p2 =	por !p2, p0  }
0x20: {  	[sflag:s8] =	ssyncset.s32 @!p0 $0xFFFFF086;
	s6 =	sadd.s32 @!p0 s3, s7;
	s7 =	simm.s32 @!p0 $0x108  }
0x21: {  	s3 =	sadd.s32 s3, s9;
	s6 =	sadd.s32 @!p0 $0x88, s6;
	s7 =	simm.s32 @p2 $0x1082  }
0x22: {  	[simem:s7], [sflag:s8] =	dma.local @!p0 [hbm:s6], $0xF7A  }
0x23: {  	s9 =	sor.u32 $0xD0000000, s2;
	s6 =	simm.s32 $0x108;
	_ =	swait.ge @!p0 [sflag:s8], $0x0  }
0x24: {  	s3 =	sadd.s32 $0x88, s3;
	s6 =	simm.s32 @!p1 $0x1082;
	[sflag:s4] =	ssyncset.s32 $0xFFFFF086  }
0x25: {  	[simem:s6], [sflag:s4] =	dma.local [hbm:s3], $0xF7A  }
0x26: {  	[smem:$0x3F98] =	sst s1;
	(tag) =	ssettag s2;
	_ =	strace s9  }
0x27: {  	s1 =	sld [smem:$0x3FA8]  }
0x28: {  	s2 =	sld [smem:$0x3FA9]  }
0x29: {  	s4 =	sld [smem:$0x3FAB]  }
0x2a: {  	p0 =	seq.s32 s5, $0x0;
	s5 =	sld [smem:$0x3FAC]  }
0x2b: {  	s6 =	sld [smem:$0x3FAD]  }
0x2c: {  	s7 =	sld [smem:$0x3FAE]  }
0x2d: {  	s3 =	simm.s32 $0x108;
	s8 =	sld [smem:$0x3FAF]  }
0x2e: {  	s3 =	simm.s32 @!p0 $0x1082;
	s9 =	sld [smem:$0x3FB0]  }
0x2f: {  	lr =	sadd.s32 s0, s3;
	s0 =	sld [smem:$0x3FA7]  }
0x30: {  	s3 =	sld [smem:$0x3FAA]  }
0x31: {  	[smem:$0x3FB3] =	sst s10  }
0x32: {  	s10 =	sld [smem:$0x3FB1];
	_ =	sdelay $0x3  }
0x33: {  	p0 =	seq.s32 s10, $0x1;
	s10 =	sld [smem:$0x3FB3];
	_ =	sdelay $0x3  }
0x34: {  	[smem:$0x3FB3] =	sst s10  }
0x35: {  	s10 =	sld [smem:$0x3FB2];
	_ =	sdelay $0x3  }
0x36: {  	p1 =	seq.s32 s10, $0x1;
	s10 =	sld [smem:$0x3FB3];
	_ =	sdelay $0x3  }
0x37: {  	[smem:$0x3FB3] =	sst s10  }
0x38: {  	s10 =	sld [smem:$0x3FB4]  }
0x39: {  	_ = 	snop;
	(pc) =	sbr.ind lr, $3  }
0x3a: {  	_ = 	snop  }
0x3b: {  	_ = 	snop  }
0x3c: {  	p2 =	seq.s32 s10, $0x1;
	s10 =	sld [smem:$0x3FB3]  }
0x3d: {  	_ =	shalt  }
0x3e: {  	_ =	shalt  }
0x3f: {  	_ =	shalt  }
0x40: {  	_ =	shalt  }
0x41: {  	_ =	shalt  }
0x42: {  	_ =	shalt  }
0x43: {  	_ =	shalt  }
0x44: {  	_ =	shalt  }
0x45: {  	_ =	shalt  }
0x46: {  	_ =	shalt  }
0x47: {  	_ =	shalt  }
0x48: {  	_ =	shalt  }
0x49: {  	_ =	shalt  }
0x4a: {  	_ =	shalt  }
0x4b: {  	_ =	shalt  }
0x4c: {  	_ =	shalt  }
0x4d: {  	_ =	shalt  }
0x4e: {  	_ =	shalt  }
0x4f: {  	_ =	shalt  }
0x50: {  	_ =	shalt  }
0x51: {  	_ =	shalt  }
0x52: {  	_ =	shalt  }
0x53: {  	_ =	shalt  }
0x54: {  	_ =	shalt  }
0x55: {  	_ =	shalt  }
0x56: {  	_ =	shalt  }
0x57: {  	_ =	shalt  }
0x58: {  	_ =	shalt  }
0x59: {  	_ =	shalt  }
0x5a: {  	_ =	shalt  }
0x5b: {  	_ =	shalt  }
0x5c: {  	_ =	shalt  }
0x5d: {  	_ =	shalt  }
0x5e: {  	_ =	shalt  }
0x5f: {  	_ =	shalt  }
0x60: {  	_ =	shalt  }
0x61: {  	_ =	shalt  }
0x62: {  	_ =	shalt  }
0x63: {  	_ =	shalt  }
0x64: {  	_ =	shalt  }
0x65: {  	_ =	shalt  }
0x66: {  	_ =	shalt  }
0x67: {  	_ =	shalt  }
0x68: {  	_ =	shalt  }
0x69: {  	_ =	shalt  }
0x6a: {  	_ =	shalt  }
0x6b: {  	_ =	shalt  }
0x6c: {  	_ =	shalt  }
0x6d: {  	_ =	shalt  }
0x6e: {  	_ =	shalt  }
0x6f: {  	_ =	shalt  }
0x70: {  	_ =	shalt  }
0x71: {  	_ =	shalt  }
0x72: {  	_ =	shalt  }
0x73: {  	_ =	shalt  }
0x74: {  	_ =	shalt  }
0x75: {  	_ =	shalt  }
0x76: {  	_ =	shalt  }
0x77: {  	_ =	shalt  }
0x78: {  	_ =	shalt  }
0x79: {  	_ =	shalt  }
0x7a: {  	_ =	shalt  }
0x7b: {  	_ =	shalt  }
0x7c: {  	_ =	shalt  }
0x7d: {  	_ =	shalt  }
0x7e: {  	_ =	shalt  }
0x7f: {  	_ =	shalt  }
0x80: {  	_ =	shalt  }
0x81: {  	_ =	shalt  }
0x82: {  	_ =	shalt  }
0x83: {  	_ =	shalt  }
0x84: {  	_ =	shalt  }
0x85: {  	_ =	shalt  }
0x86: {  	_ =	shalt  }
0x87: {  	_ =	shalt  }
.Lfunc_end0:
.L_simem_size_0:
called_computation_lowered:
.L_overlay_start_0:
0x88: {  	s0 =	sld [smem:$0x3FD9]  }
0x89: {  	s1 =	sld [smem:$0x3FFE];
	_ =	sdelay $0x3  }
0x8a: {  	s0 =	sadd.s32 s1, s0  }
0x8b: {  	[smem:$0x3FBF] =	sst s0  }
0x8c: {  	_ = 	snop  }
0x8d: {  	s0 =	sld [smem:$0x3FD0];
	(tm) =	ssettm $0x1  }
0x8e: {  	s16 =	sld [smem:$0x3FFB];
	_ =	sdelay $0x3  }
0x8f: {  	_ =	strace s16  }
0x90: {  	s1 =	sld [smem:$0x3FFC];
	_ =	sdelay $0x3  }
0x91: {  	_ =	strace s1  }
0x92: {  	s1 =	sld [smem:$0x3FFD];
	_ =	sdelay $0x3  }
0x93: {  	_ =	strace s1  }
0x94: {  	_ =	strace $0x8FFFFFFF  }
0x95: {  	s17 =	sld [smem:$0x3FDB];
	_ =	sdelay $0x1  }
0x96: {  	s2 =	simm.s32 $_scs_section_size  }
0x97: {  	s3 =	simm.s32 $_size__tile_overlayer_lowered;
	s4 =	simm.s32 $_tile_overlayer_lowered  }
0x98: {  	s20 =	simm.s32 $0x1BFF;
	s19 =	sshll.u32 s4, $0x1;
	s1 =	sadd.s32 s2, s17  }
0x99: {  	s5 =	simm.s32 $0x0;
	s18 =	sshll.u32 s3, $0x1;
	s3 =	sadd.s32 s19, s1  }
0x9a: {  	[timem:s5], [sflag:s20] =	dma.local [hbm:s3], s18  }
0x9b: {  	_ =	swait.ge [sflag:s20], s18  }
0x9c: {  	s2 =	ssub.s32 $0x0, s18;
	[sflag:s20] =	ssyncset.done $0x0  }
0x9d: {  	[sflag:s20] =	ssyncadd.s32 s2;
	_ =	sdelay $0x1  }
0x9e: {  	s21 =	simm.s32 $0x1B8B  }
0x9f: {  	_ =	swait.ge [sflag:s21], $0x1  }
0xa0: {  	[sflag:s21] =	ssyncset.done $0x0  }
0xa1: {  	s23 =	simm.s32 $0x1B8E;
	s22 =	sld [smem:$0x3FFE];
	[sflag:s21] =	ssyncadd.s32 $0xFFFFFFFF  }
0xa2: {  	s24 =	simm.s32 $execute0_lowered;
	[smem:$0x3FD2] =	sst s23  }
0xa3: {  	s3 =	sshll.u32 s24, $0x1;
	_ =	strace $0x80000049;
	[dreg:$0x1] =	wrdreg $0xFFFFFFFF  }
0xa4: {  	s25 =	simm.s32 $_size_execute0_lowered;
	s1 =	sadd.s32 s1, s3;
	[dreg:$0x0] =	wrdreg $0x0  }
0xa5: {  	s3 =	sshll.u32 s25, $0x1;
	[dreg:$0x2] =	wrdreg s1  }
0xa6: {  	[dreg:$0x3] =	wrdreg s3  }
0xa7: {  	[dreg:$0x4] =	wrdreg $0xC0  }
0xa8: {  	_ =	task [dreg:s5], $0x5FFFF  }
0xa9: {  	[dreg:$0x1] =	wrdreg $0xFFFFFFFF  }
0xaa: {  	[dreg:$0x0] =	wrdreg $0x60  }
0xab: {  	[dreg:$0x2] =	wrdreg s0  }
0xac: {  	[dreg:$0x3] =	wrdreg s22  }
0xad: {  	[dreg:$0x4] =	wrdreg $0x9  }
0xae: {  	_ =	task.clear_ibuf [dreg:s5], $0x5FFFF;
	_ =	strace $0x90000049  }
0xaf: {  	s26 =	simm.s32 $0x9;
	_ =	strace $0x8000004B  }
0xb0: {  	_ =	swait.ge [sflag:s26], $0x1  }
0xb1: {  	[sflag:s26] =	ssyncadd.s32 $0xFFFFFFFF  }
0xb2: {  	_ =	strace $0x9000004B  }
0xb3: {  	_ =	sfence  }
0xb4: {  	s28 =	sld [smem:$0x0];
	_ =	sdelay $0x1  }
0xb5: {  	s29 =	srdreg.scid  }
0xb6: {  	s30 =	sshll.u32 s29, $0xD;
	s31 =	sshrl.u32 s29, $0x2  }
0xb7: {  	s2 =	sand.u32 $0x4000, s30;
	s1 =	sand.u32 $0x1, s29;
	s0 =	sadd.s32 s31, s28  }
0xb8: {  	s1 =	sor.u32 s2, s1;
	s0 =	sshll.u32 s0, $0x11  }
0xb9: {  	s0 =	sor.u32 s0, s1  }
0xba: {  	s0 =	sadd.s32 $0x8F2B, s0  }
0xbb: {  	[sflag:s0] =	ssyncadd.remote.s32 $0x1  }
0xbc: {  	_ =	sfence.sel $0xFFFF  }
0xbd: {  	[dreg:$0x0] =	wrdreg $0xFFFFFFFF;
	(pc) =	sbr.abs _section_cstart, $3  }
0xbe: {  	[dreg:$0x1] =	wrdreg $0xFFFFFFFF  }
0xbf: {  	_ =	task.clear_ibuf [dreg:s5], $0x2FFFF;
	_ =	strace $0x9FFFFFFF  }
0xc0: {  	(tm) =	ssettm $0x7FFFFFFF  }
0xc1: {  	_ =	shalt  }
tec
execute0_lowered:
.L_overlay_start_1:
0x0: {  	(tag) =	ssettag $0x1  }
0x1: {  	s1 =	rddreg [dreg:$0x0]  }
0x2: {  	s4 =	rddreg [dreg:$0x1]  }
0x3: {  	s0 =	rddreg [dreg:$0x2];
	s3 =	stileid.u32  }
0x4: {  	_ =	strace $0x8000004A;
	s7 =	simm.s32 $0x3E;
	p0 =	sne.s32 s3, $0x0  }
0x5: {  	[sflag:s7] =	ssyncpa.u1 $0x0;
	s31 =	smin.u32 s3, $0x8;
	p1 =	slt.u32 s3, $0x8  }
0x6: {  	s3 =	simm.s32 $0x10;
	s5 =	simm.s32 @!p0 $0x1C3E;
	s2 =	simm.s32 @!p0 $0x0  }
0x7: {  	[spmem:s2], [sflag:s5] =	dma.local @!p0 [hbm:s1], $0x20  }
0x8: {  	s3 =	simm.s32 @!p1 $0x0;
	s5 =	sshll.u32 s31, $0x4  }
0x9: {  	s3 =	sadd.s32 s3, s5  }
0xa: {  	s9 =	smin.u32 s3, $0x80  }
0xb: {  	s8 =	ssub.s32 s9, s5  }
0xc: {  	p1 =	sgt.s32 s8, $0x0  }
0xd: {  	s6 =	simm.s32 @!p0 $0x3E;
	s8 =	simm.s32 @!p1 $0x0  }
0xe: {  	_ =	swait.ge @!p0 [sflag:s6], $0x20;
	s10 =	sshrl.u32 s8, $0x4  }
0xf: {  	[sflag:s6] =	ssyncset.done @!p0 $0x0;
	s11 =	sadd.s32 $0x1, s10  }
0x10: {  	p3 =	por $0x0, $0x0;
	[sflag:s6] =	ssyncadd.s32 @!p0 $0xFFFFFFE0;
	p1 =	sne.s32 s11, $0x1  }
.Ltmp0:
0x11: {  	s3 =	simm.s32 $0x1;
	[bflag:$0x0] =	sbarrier.arrive $0xFFFF;
	(pc) =	sbr.rel @!p1 .LBB2_1-.Ltmp0, $4  }
0x12: {  	s6 =	sadd.s32 $0xC00, s4;
	[sflag:s7] =	ssyncpa.u1 $0x1;
	s7 =	sadd.s32 $0x400, s4  }
0x13: {  	s4 =	simm.s32 $0x2;
	s8 =	simm.s32 $0x0;
	p2 =	sle.u32 s10, $0x0  }
0x14: {  	[sflag:s3] =	ssyncpa.u1 $0x0;
	(ifvalue) =	ssetifvalue $0x100;
	s12 =	sxor.u32 @!p2 $0xFFFFFFFF, s8  }
0x15: {  	[sflag:s4] =	ssyncpa.u1 $0x0;
	s16 =	sshrl.u32 @!p2 s5, $0x3;
	s15 =	sand.u32 @!p2 $0x10, s12  }
0x16: {  	s12 =	sadd.s32 @!p2 s6, s16;
	s13 =	sadd.s32 @!p2 $0x10, s15;
	s14 =	sand.u32 @!p2 $0x7, s5  }
0x17: {  	[tilespmem:s13], [sflag:$0x2] =	stream.linear.gather @!p2 [hbm4b:s12+s14], $0x10, $0x38;
	[tilespmem:$0x50] =	vst v63  }
0x18: {  	p1 =	por $0x1, $0x1;
	s12 =	sadd.s32 @!p2 s7, s16;
	s13 =	sadd.s32 @!p2 $0x30, s15  }
0x19: {  	[tilespmem:s13], [sflag:$0x2] =	stream.linear.gather @!p2 [hbm4b:s12+s14], $0x10, $0x38;
	[tilespmem:$0x50] =	vst v63  }
0x1a: {  	s12 =	simm.s32 @!p1 $0x2  }
0x1b: {  	_ =	swait.ge @!p1 [sflag:s12], $0x20  }
0x1c: {  	[sflag:s12] =	ssyncset.done @!p1 $0x0  }
0x1d: {  	s8 =	sand.u32 @!p1 $0x10, s8;
	[sflag:s12] =	ssyncadd.s32 @!p1 $0xFFFFFFE0  }
0x1e: {  	v0 =	vld.msk @!p1 [tilespmem:s8+$0x10 ss:$0x1], $0xffff;
	_ =	sdelay $0x3  }
0x1f: {  	p4 =	sne.s32 s11, $0x2  }
.Ltmp1:
0x20: {  	s18 =	simm.s32 @!p1 $0x0;
	s15 =	sadd.s32 $0x10, s5;
	v0 =	vmin.u32 @!p1 v0, $0x100;
	(pc) =	sbr.rel @!p4 .LBB2_3-.Ltmp1, $4  }
0x21: {  	s17 =	simm.s32 @!p1 $0x1;
	p3 =	slt.s32 s15, s9;
	s14 =	sadd.s32 @!p1 $0x30, s8  }
0x22: {  	p2 =	sle.u32 s10, $0x1;
	s13 =	smov.u32 s5;
	s8 =	simm.s32 $0x10  }
0x23: {  	s13 =	smov.u32 @p3 s15;
	p3 =	por $0x1, $0x1;
	s16 =	sxor.u32 @!p2 $0xFFFFFFFF, s8  }
0x24: {  	vm0 =	vmmov @!p1 $0xffff;
	s12 =	simm.s32 $0x2;
	s15 =	sand.u32 @!p2 $0x10, s16;
	s16 =	sshrl.u32 @!p2 s13, $0x3  }
.LBB2_4:
0x25: {  	[spmem:s18] =	stream.indirect_vreg.scatter.add.s32 @!p1 [tilespmem:s14], [sflag:$0x1], $0x1, v0, vm0, $0x4038;
	[tilespmem:$0x50] =	vst v63  }
0x26: {  	s14 =	sadd.s32 @!p2 s6, s16;
	s18 =	sadd.s32 @!p2 $0x10, s15;
	_ =	swait.ge @!p1 [sflag:s17], $0x10  }
0x27: {  	s19 =	smov.u32 s12;
	s12 =	sadd.s32 $0x1, s12;
	[sflag:s17] =	ssyncset.done @!p1 $0x0  }
0x28: {  	s20 =	sand.u32 @!p2 $0x7, s13;
	p4 =	sne.s32 s11, s12;
	[sflag:s17] =	ssyncadd.s32 @!p1 $0xFFFFFFF0  }
0x29: {  	[tilespmem:s18], [sflag:$0x2] =	stream.linear.gather @!p2 [hbm4b:s14+s20], $0x10, $0x38;
	[tilespmem:$0x50] =	vst v63  }
0x2a: {  	s15 =	sadd.s32 @!p2 $0x30, s15;
	p1 =	seq.s32 s8, $0x0;
	s14 =	sadd.s32 @!p2 s7, s16  }
0x2b: {  	[tilespmem:s15], [sflag:$0x2] =	stream.linear.gather @!p2 [hbm4b:s14+s20], $0x10, $0x38;
	[tilespmem:$0x50] =	vst v63  }
0x2c: {  	s16 =	sand.u32 @!p1 $0x10, s8;
	s15 =	simm.s32 @!p1 $0x2  }
0x2d: {  	s14 =	sadd.s32 @!p1 $0x30, s16;
	_ =	swait.ge @!p1 [sflag:s15], $0x20  }
0x2e: {  	[sflag:s15] =	ssyncset.done @!p1 $0x0  }
0x2f: {  	[sflag:s15] =	ssyncadd.s32 @!p1 $0xFFFFFFE0  }
0x30: {  	v0 =	vld.msk @!p1 [tilespmem:s16+$0x10 ss:$0x1], $0xffff;
	_ =	sdelay $0x5  }
.Ltmp2:
0x31: {  	s18 =	simm.s32 @!p1 $0x0;
	v0 =	vmin.u32 @!p1 v0, $0x100;
	(pc) =	sbr.rel @p4 .LBB2_4-.Ltmp2, $4  }
0x32: {  	vm0 =	vmmov @!p1 $0xffff;
	s8 =	sadd.s32 $0x10, s8;
	s17 =	simm.s32 @!p1 $0x1;
	s15 =	sadd.s32 $0x10, s13  }
0x33: {  	p2 =	sge.u32 s19, s10;
	s13 =	smov.u32 s5;
	p5 =	slt.s32 s15, s9  }
0x34: {  	s16 =	sxor.u32 @!p2 $0xFFFFFFFF, s8;
	s13 =	smov.u32 @p5 s15  }
0x35: {  	s15 =	sand.u32 @!p2 $0x10, s16;
	s16 =	sshrl.u32 @!p2 s13, $0x3  }
0x36: {  	s5 =	smov.u32 s13  }
.LBB2_6:
0x37: {  	_ =	sdelay $0x2  }
0x38: {  	p1 =	por p1, !p3  }
0x39: {  	[spmem:s18] =	stream.indirect_vreg.scatter.add.s32 @!p1 [tilespmem:s14], [sflag:$0x1], $0x1, v0, vm0, $0x4038;
	[tilespmem:$0x50] =	vst v63  }
0x3a: {  	_ =	swait.ge @!p1 [sflag:s17], $0x10  }
0x3b: {  	s6 =	sadd.s32 @!p2 s6, s16;
	[sflag:s17] =	ssyncset.done @!p1 $0x0  }
0x3c: {  	s9 =	sadd.s32 @!p2 $0x10, s15;
	s5 =	sand.u32 @!p2 $0x7, s5;
	[sflag:s17] =	ssyncadd.s32 @!p1 $0xFFFFFFF0  }
0x3d: {  	[tilespmem:s9], [sflag:$0x2] =	stream.linear.gather @!p2 [hbm4b:s6+s5], $0x10, $0x38;
	[tilespmem:$0x50] =	vst v63  }
0x3e: {  	p1 =	seq.s32 s8, $0x0;
	s6 =	sadd.s32 @!p2 s7, s16;
	s7 =	sadd.s32 @!p2 $0x30, s15  }
0x3f: {  	[tilespmem:s7], [sflag:$0x2] =	stream.linear.gather @!p2 [hbm4b:s6+s5], $0x10, $0x38;
	[tilespmem:$0x50] =	vst v63  }
0x40: {  	s5 =	simm.s32 @!p1 $0x2  }
0x41: {  	_ =	swait.ge @!p1 [sflag:s5], $0x20  }
0x42: {  	[sflag:s5] =	ssyncset.done @!p1 $0x0  }
0x43: {  	s6 =	sand.u32 @!p1 $0x10, s8;
	[sflag:s5] =	ssyncadd.s32 @!p1 $0xFFFFFFE0  }
0x44: {  	v0 =	vld.msk @!p1 [tilespmem:s6+$0x10 ss:$0x1], $0xffff;
	_ =	sdelay $0x4  }
0x45: {  	v0 =	vmin.u32 @!p1 v0, $0x100;
	_ =	sdelay $0x3  }
0x46: {  	vm0 =	vmmov @!p1 $0xffff;
	s7 =	simm.s32 @!p1 $0x1;
	s5 =	sadd.s32 @!p1 $0x30, s6;
	s6 =	simm.s32 @!p1 $0x0  }
0x47: {  	[spmem:s6] =	stream.indirect_vreg.scatter.add.s32 @!p1 [tilespmem:s5], [sflag:$0x1], $0x1, v0, vm0, $0x4038;
	[tilespmem:$0x50] =	vst v63  }
0x48: {  	_ =	swait.ge @!p1 [sflag:s7], $0x10  }
0x49: {  	[sflag:s7] =	ssyncset.done @!p1 $0x0  }
0x4a: {  	[sflag:s7] =	ssyncadd.s32 @!p1 $0xFFFFFFF0  }
0x4b: {  	_ =	sfence.sel $0x180000  }
0x4c: {  	[bflag:$0x0] =	sbarrier.arrive $0xFFFF  }
0x4d: {  	[sflag:s4] =	ssyncpa.u1 $0x1  }
0x4e: {  	[sflag:s3] =	ssyncpa.u1 $0x1  }
0x4f: {  	_ =	sfence.stream.spmem  }
0x50: {  	s31 =	simm.s32 $0x3D;
	[bflag:$0x0] =	sbarrier.arrive $0xFFFF  }
0x51: {  	s3 =	simm.s32 @p0 $0x3D;
	[sflag:s31] =	ssyncpa.u1 $0x0  }
0x52: {  	[sflag:s3] =	ssyncpa.u1 @p0 $0x1  }
0x53: {  	[bflag:$0x0] =	sbarrier.arrive @p0 $0xFFFF  }
0x54: {  	_ =	strace @p0 $0x9000004A  }
0x55: {  	s3 =	simm.s32 @!p0 $0x1C3D;
	[bflag:$0x2] =	sbarrier.arrive @p0 $0xFFFF  }
0x56: {  	[hbm:s1], [sflag:s3] =	dma.local @!p0 [spmem:s2], $0x20  }
0x57: {  	s1 =	simm.s32 @!p0 $0x3D  }
0x58: {  	_ =	swait.ge @!p0 [sflag:s1], $0x20  }
0x59: {  	[sflag:s1] =	ssyncset.done @!p0 $0x0  }
0x5a: {  	[sflag:s1] =	ssyncadd.s32 @!p0 $0xFFFFFFE0  }
0x5b: {  	[sflag:s1] =	ssyncpa.u1 @!p0 $0x1  }
0x5c: {  	[bflag:$0x0] =	sbarrier.arrive @!p0 $0xFFFF  }
0x5d: {  	_ =	strace @!p0 $0x9000004A  }
0x5e: {  	s0 =	sadd.s32 @!p0 $0x100000, s0;
	[bflag:$0x2] =	sbarrier.arrive @!p0 $0xFFFF  }
0x5f: {  	[sflag:s0] =	ssyncadd.tile.s32 @!p0 $0x1;
	_ =	shalt  }
.LBB2_1:
.Ltmp3:
0x60: {  	(pc) =	sbr.rel .LBB2_6-.Ltmp3, $2  }
0x61: {  	_ =	sdelay $0x2  }
0x62: {  	_ = 	snop  }
.LBB2_3:
.Ltmp4:
0x63: {  	(pc) =	sbr.rel .LBB2_6-.Ltmp4, $2  }
0x64: {  	_ =	sdelay $0x2  }
0x65: {  	s5 =	smov.u32 s13  }
.Lfunc_end2:
_tile_overlayer_lowered:
.L_overlay_start_2:
0x66: {  	(tag) =	ssettag $0x2  }
0x67: {  	s0 =	rddreg [dreg:$0x0];
	s2 =	stileid.u32  }
0x68: {  	s1 =	rddreg [dreg:$0x1];
	p0 =	sne.s32 s2, $0x0  }
0x69: {  	s3 =	rddreg [dreg:$0x2];
	[bflag:$0x3] =	sbarrier.arrive $0xFFFF;
	s2 =	simm.s32 @!p0 $0x1C01  }
0x6a: {  	[timem:s3], [sflag:s2] =	dma.local @!p0 [hbm:s0], s1  }
0x6b: {  	s0 =	simm.s32 @!p0 $0x1  }
0x6c: {  	_ =	swait.ge @!p0 [sflag:s0], s1  }
0x6d: {  	s1 =	ssub.s32 @!p0 $0x0, s1;
	[sflag:s0] =	ssyncset.done @!p0 $0x0  }
0x6e: {  	[sflag:s0] =	ssyncadd.s32 @!p0 s1  }
0x6f: {  	[bflag:$0x3] =	sbarrier.arrive $0xFFFF  }
0x70: {  	_ =	shalt  }

</sc_bundles>
